<compile_context>
chip_gen: v7x
topology: tpu7x:2x2x1
jax: 0.10.2.dev20260603
libtpu: 0.0.44.dev20260713+nightly
codegen_flags: <defaults>
</compile_context>

<pallas_src>
import dataclasses
import functools

import jax
import jax.numpy as jnp
from jax import lax
from jax.experimental import pallas as pl
from jax.experimental.pallas import tpu as pltpu
from jax.experimental.pallas import tpu_sc as plsc

N = 10000
E = 320000
D = 128
L = 16
NC = 2
NS = 16
NW = NC * NS
CH = 128
NCHUNK = 80
EPW = NCHUNK * CH
EPAD = NW * EPW
RB = 80
NBLK = N // RB


def _sc_partials(hidden, src1, dst2, w1):
    mesh = plsc.VectorSubcoreMesh(core_axis_name="c", subcore_axis_name="s")

    cp = pltpu.CompilerParams()
    if "needs_layout_passes" in pltpu.CompilerParams.__dataclass_fields__:
        cp = dataclasses.replace(cp, needs_layout_passes=False)

    @functools.partial(
        pl.kernel,
        compiler_params=cp,
        out_type=jax.ShapeDtypeStruct((NC, N, D), jnp.float32),
        mesh=mesh,
        scratch_types=[
            pltpu.VMEM_SHARED((N, D), jnp.float32),
            pltpu.VMEM((EPW,), jnp.int32),
            pltpu.VMEM((NCHUNK, CH), jnp.int32),
            pltpu.VMEM((EPW,), jnp.float32),
            pltpu.VMEM((CH, D), jnp.float32),
            pltpu.SemaphoreType.DMA,
        ],
    )
    def sc_kernel(hidden_hbm, src_hbm, dst_hbm, w_hbm, out_hbm,
                  acc, src_v, dst_v, w_v, rows_v, sem):
        cid = lax.axis_index("c")
        sid = lax.axis_index("s")
        wid = sid * NC + cid

        zero = jnp.zeros((L,), jnp.float32)

        @pl.loop(0, CH)
        def _(r):
            for j in range(D // L):
                rows_v[r, pl.ds(j * L, L)] = zero

        @pl.loop(sid, NBLK, step=NS)
        def _(b):
            pltpu.sync_copy(rows_v.at[pl.ds(0, RB)], acc.at[pl.ds(b * RB, RB)])

        pltpu.sync_copy(src_hbm.at[pl.ds(wid * EPW, EPW)], src_v)
        pltpu.sync_copy(dst_hbm.at[pl.ds(wid * NCHUNK, NCHUNK)], dst_v)
        pltpu.sync_copy(w_hbm.at[pl.ds(wid * EPW, EPW)], w_v)

        plsc.subcore_barrier()

        @pl.loop(0, NCHUNK)
        def _(k):
            pltpu.async_copy(
                hidden_hbm.at[src_v.at[pl.ds(k * CH, CH)]], rows_v, sem
            ).wait()

            @pl.loop(0, CH)
            def _(i):
                wvec = plsc.load_gather(
                    w_v, [jnp.full((L,), k * CH + i, jnp.int32)])
                for j in range(D // L):
                    sl = (i, pl.ds(j * L, L))
                    rows_v[sl] = rows_v[sl] * wvec

            pltpu.async_copy(rows_v, acc.at[dst_v.at[k]], sem, add=True).wait()

        plsc.subcore_barrier()

        @pl.loop(sid, NBLK, step=NS)
        def _(b):
            pltpu.sync_copy(acc.at[pl.ds(b * RB, RB)], rows_v.at[pl.ds(0, RB)])
            pltpu.sync_copy(rows_v.at[pl.ds(0, RB)],
                            out_hbm.at[cid, pl.ds(b * RB, RB)])

    return sc_kernel(hidden, src1, dst2, w1)


def _combine(hidden, p0, p1):
    BR = 1000

    def body(h_ref, a_ref, b_ref, o_ref):
        o_ref[...] = (h_ref[...] + a_ref[...] + b_ref[...]) * 0.5

    spec = pl.BlockSpec((BR, D), lambda i: (i, 0))
    return pl.pallas_call(
        body,
        grid=(N // BR,),
        in_specs=[spec, spec, spec],
        out_specs=spec,
        out_shape=jax.ShapeDtypeStruct((N, D), jnp.float32),
    )(hidden, p0, p1)


def kernel(hidden, edge_index, edge_weight):
    pad = EPAD - E
    src1 = jnp.concatenate([edge_index[1], jnp.zeros((pad,), jnp.int32)])
    dst1 = jnp.concatenate([edge_index[0], jnp.zeros((pad,), jnp.int32)])
    w1 = jnp.concatenate([edge_weight, jnp.zeros((pad,), jnp.float32)])
    dst2 = dst1.reshape(NW * NCHUNK, CH)
    p = _sc_partials(hidden, src1, dst2, w1)
    return _combine(hidden, p[0], p[1])

# --- scband reference (transcript-rebuilt; emitter-appended) ---
"""Pipeline reference for scband-dhcn-72129680769639 (READ-ONLY COPY).

The authoritative reference and input builder live on the scoring server;
editing this copy changes nothing except your own understanding.
"""

import jax, jax.numpy as jnp
import numpy as np

N = 10000
E = 320000
D = 128
STEPS = 1

def setup_inputs(seed: int = 0) -> dict:
    key = jax.random.key(seed)
    k1, k2, k3 = jax.random.split(key, 3)
    hidden = jax.random.normal(k1, (N, D), dtype=jnp.float32)
    edge_index = jax.random.randint(k2, (2, E), 0, N, dtype=jnp.int32)
    edge_weight = jax.random.uniform(k3, (E,), dtype=jnp.float32)
    return {"hidden": hidden, "edge_index": edge_index, "edge_weight": edge_weight}

def reference(hidden, edge_index, edge_weight):
    # HyperConv.forward: final = [hidden]; repeat: final.append(sparse_adj @ final[-1]);
    # return stack(final).sum(0) / (steps + 1)
    # sparse adjacency is COO: row = edge_index[0] (dst), col = edge_index[1] (src), values = edge_weight
    dst = edge_index[0]
    src = edge_index[1]
    cur = hidden
    acc = hidden
    for _ in range(STEPS):
        msgs = jnp.take(cur, src, axis=0) * edge_weight[:, None]  # gather
        cur = jax.ops.segment_sum(msgs, dst, num_segments=N)      # scatter-add (spmm row-reduce)
        acc = acc + cur
    return acc / float(STEPS + 1)

if __name__ == "__main__":
    import jax
    _d = setup_inputs()
    print(jax.jit(kernel)(*tuple(_d.values())))

</pallas_src>

<mosaic_0001>
#map = affine_map<(d0, d1) -> (0, 0)>
#map1 = affine_map<(d0, d1) -> (0)>
#map2 = affine_map<(d0, d1) -> (0, 0, 0)>
module attributes {stable_mosaic.version = 14 : i64} {
  func.func @sc_kernel(%arg0: i32, %arg1: i32, %arg2: memref<10000x128xf32, #tpu.memory_space<hbm>>, %arg3: memref<327680xi32, #tpu.memory_space<hbm>>, %arg4: memref<2560x128xi32, #tpu.memory_space<hbm>>, %arg5: memref<327680xf32, #tpu.memory_space<hbm>>, %arg6: memref<2x10000x128xf32, #tpu.memory_space<hbm>>, %arg7: memref<10000x128xf32, #tpu.memory_space<vmem_shared>>, %arg8: memref<10240xi32, #tpu.memory_space<vmem>>, %arg9: memref<80x128xi32, #tpu.memory_space<vmem>>, %arg10: memref<10240xf32, #tpu.memory_space<vmem>>, %arg11: memref<128x128xf32, #tpu.memory_space<vmem>>, %arg12: memref<!tpu.dma_semaphore, #tpu.memory_space<semaphore_mem>>) attributes {dimension_semantics = [#tpu.dimension_semantics<core_parallel>, #tpu.dimension_semantics<subcore_parallel>], iteration_bounds = array<i64: 2, 16>, scalar_prefetch = 0 : i64, scratch_operands = 6 : i64, tpu.core_type = #tpu.core_type<sc_vector_subcore>, window_params = [{transform_indices = #map}, {transform_indices = #map1}, {transform_indices = #map}, {transform_indices = #map1}, {transform_indices = #map2}]} {
    %mul3A = arith.constant 2 : i32
    %mul3A_0 = arith.muli %arg1, %mul3A : i32
    %add3A = arith.addi %mul3A_0, %arg0 : i32
    %broadcast_in_dim3A = arith.constant 0.000000e+00 : f32
    %broadcast_in_dim3A_1 = vector.broadcast %broadcast_in_dim3A : f32 to vector<16xf32>
    %scan3A = arith.constant 0 : i32
    %scan3A_2 = arith.constant 128 : i32
    %scan3A_3 = arith.addi %scan3A, %scan3A_2 : i32
    %scan3A_4 = arith.constant 1 : i32
    scf.for %scan3A_51 = %scan3A to %scan3A_3 step %scan3A_4  : i32 {
      %mul3A_52 = arith.constant 1 : i32
      %mul3A_53 = arith.muli %scan3A_51, %mul3A_52 : i32
      %add3A_54 = arith.constant 0 : i32
      %add3A_55 = arith.addi %add3A_54, %mul3A_53 : i32
      %swap3A = arith.index_cast %add3A_55 : i32 to index
      %swap3A_56 = arith.constant 0 : index
      %swap3A_57 = tpu.vector_load %arg11[%swap3A, %swap3A_56] {strides = array<i32>} : memref<128x128xf32, #tpu.memory_space<vmem>>, vector<16xf32>,
      tpu.vector_store %arg11[%swap3A, %swap3A_56], %broadcast_in_dim3A_1 {strides = array<i32>} : memref<128x128xf32, #tpu.memory_space<vmem>>, vector<16xf32>,
      %swap3A_58 = arith.index_cast %add3A_55 : i32 to index
      %swap3A_59 = arith.constant 16 : index
      %swap3A_60 = tpu.vector_load %arg11[%swap3A_58, %swap3A_59] {strides = array<i32>} : memref<128x128xf32, #tpu.memory_space<vmem>>, vector<16xf32>,
      tpu.vector_store %arg11[%swap3A_58, %swap3A_59], %broadcast_in_dim3A_1 {strides = array<i32>} : memref<128x128xf32, #tpu.memory_space<vmem>>, vector<16xf32>,
      %swap3A_61 = arith.index_cast %add3A_55 : i32 to index
      %swap3A_62 = arith.constant 32 : index
      %swap3A_63 = tpu.vector_load %arg11[%swap3A_61, %swap3A_62] {strides = array<i32>} : memref<128x128xf32, #tpu.memory_space<vmem>>, vector<16xf32>,
      tpu.vector_store %arg11[%swap3A_61, %swap3A_62], %broadcast_in_dim3A_1 {strides = array<i32>} : memref<128x128xf32, #tpu.memory_space<vmem>>, vector<16xf32>,
      %swap3A_64 = arith.index_cast %add3A_55 : i32 to index
      %swap3A_65 = arith.constant 48 : index
      %swap3A_66 = tpu.vector_load %arg11[%swap3A_64, %swap3A_65] {strides = array<i32>} : memref<128x128xf32, #tpu.memory_space<vmem>>, vector<16xf32>,
      tpu.vector_store %arg11[%swap3A_64, %swap3A_65], %broadcast_in_dim3A_1 {strides = array<i32>} : memref<128x128xf32, #tpu.memory_space<vmem>>, vector<16xf32>,
      %swap3A_67 = arith.index_cast %add3A_55 : i32 to index
      %swap3A_68 = arith.constant 64 : index
      %swap3A_69 = tpu.vector_load %arg11[%swap3A_67, %swap3A_68] {strides = array<i32>} : memref<128x128xf32, #tpu.memory_space<vmem>>, vector<16xf32>,
      tpu.vector_store %arg11[%swap3A_67, %swap3A_68], %broadcast_in_dim3A_1 {strides = array<i32>} : memref<128x128xf32, #tpu.memory_space<vmem>>, vector<16xf32>,
      %swap3A_70 = arith.index_cast %add3A_55 : i32 to index
      %swap3A_71 = arith.constant 80 : index
      %swap3A_72 = tpu.vector_load %arg11[%swap3A_70, %swap3A_71] {strides = array<i32>} : memref<128x128xf32, #tpu.memory_space<vmem>>, vector<16xf32>,
      tpu.vector_store %arg11[%swap3A_70, %swap3A_71], %broadcast_in_dim3A_1 {strides = array<i32>} : memref<128x128xf32, #tpu.memory_space<vmem>>, vector<16xf32>,
      %swap3A_73 = arith.index_cast %add3A_55 : i32 to index
      %swap3A_74 = arith.constant 96 : index
      %swap3A_75 = tpu.vector_load %arg11[%swap3A_73, %swap3A_74] {strides = array<i32>} : memref<128x128xf32, #tpu.memory_space<vmem>>, vector<16xf32>,
      tpu.vector_store %arg11[%swap3A_73, %swap3A_74], %broadcast_in_dim3A_1 {strides = array<i32>} : memref<128x128xf32, #tpu.memory_space<vmem>>, vector<16xf32>,
      %swap3A_76 = arith.index_cast %add3A_55 : i32 to index
      %swap3A_77 = arith.constant 112 : index
      %swap3A_78 = tpu.vector_load %arg11[%swap3A_76, %swap3A_77] {strides = array<i32>} : memref<128x128xf32, #tpu.memory_space<vmem>>, vector<16xf32>,
      tpu.vector_store %arg11[%swap3A_76, %swap3A_77], %broadcast_in_dim3A_1 {strides = array<i32>} : memref<128x128xf32, #tpu.memory_space<vmem>>, vector<16xf32>,
    }
    %scan3A_5 = arith.constant 128 : i32
    %sub3A = arith.constant 125 : i32
    %sub3A_6 = arith.subi %sub3A, %arg1 : i32
    %sub3A_7 = arith.constant 16 : i32
    %sub3A_8 = arith.constant 1 : i32
    %sub3A_9 = arith.subi %sub3A_7, %sub3A_8 : i32
    %add3A_10 = arith.addi %sub3A_6, %sub3A_9 : i32
    %div3A = arith.constant 16 : i32
    %div3A_11 = arith.divsi %add3A_10, %div3A : i32
    %while3A = arith.constant 16 : i32
    %while3A_12 = arith.constant 0 : i32
    %while3A_13 = arith.subi %div3A_11, %while3A_12 : i32
    %while3A_14 = arith.addi %while3A_12, %while3A_13 : i32
    %while3A_15 = arith.constant 1 : i32
    %while3A_16 = arith.divsi %while3A_13, %while3A_15 : i32
    %while3A_17 = arith.muli %while3A_16, %while3A_15 : i32
    %while3A_18 = arith.addi %while3A_12, %while3A_17 : i32
    %while3A_19 = arith.constant 1 : i32
    scf.for %while3A_51 = %while3A_12 to %while3A_18 step %while3A_19  : i32 {
      %mul3A_52 = arith.muli %while3A_51, %while3A : i32
      %add3A_53 = arith.addi %arg1, %mul3A_52 : i32
      %mul3A_54 = arith.constant 80 : i32
      %mul3A_55 = arith.muli %add3A_53, %mul3A_54 : i32
      "tpu.region"() ({
        %run_scoped3A = tpu.sem_alloc : memref<!tpu.dma_semaphore, #tpu.memory_space<semaphore_mem>>
        %dma_start3A = arith.constant 0 : i32
        %dma_start3A_56 = arith.constant 0 : i32
        %dma_start3A_57 = tpu.memref_slice %arg11[%dma_start3A, %dma_start3A_56] : memref<128x128xf32, #tpu.memory_space<vmem>> -> memref<80x128xf32, #tpu.memory_space<vmem>>
        %dma_start3A_58 = arith.constant 0 : i32
        %dma_start3A_59 = tpu.memref_slice %arg7[%mul3A_55, %dma_start3A_58] : memref<10000x128xf32, #tpu.memory_space<vmem_shared>> -> memref<80x128xf32, #tpu.memory_space<vmem_shared>>
        %dma_start3A_60 = arith.constant 0 : i32
        %dma_start3A_61 = tpu.memref_slice %arg7[%mul3A_55, %dma_start3A_60] : memref<10000x128xf32, #tpu.memory_space<vmem_shared>> -> memref<80x128xf32, #tpu.memory_space<vmem_shared>>
        %dma_start3A_62 = arith.constant 0 : i32
        %dma_start3A_63 = arith.constant 0 : i32
        %dma_start3A_64 = tpu.memref_slice %arg11[%dma_start3A_62, %dma_start3A_63] : memref<128x128xf32, #tpu.memory_space<vmem>> -> memref<80x128xf32, #tpu.memory_space<vmem>>
        tpu.enqueue_dma source(%dma_start3A_64 : memref<80x128xf32, #tpu.memory_space<vmem>>) target(%dma_start3A_61 : memref<80x128xf32, #tpu.memory_space<vmem_shared>>) target_semaphore(%run_scoped3A : memref<!tpu.dma_semaphore, #tpu.memory_space<semaphore_mem>>)
        %dma_wait3A = arith.constant 0 : i32
        %dma_wait3A_65 = arith.constant 0 : i32
        %dma_wait3A_66 = tpu.memref_slice %arg11[%dma_wait3A, %dma_wait3A_65] : memref<128x128xf32, #tpu.memory_space<vmem>> -> memref<80x128xf32, #tpu.memory_space<vmem>>
        %dma_wait3A_67 = arith.constant 0 : i32
        %dma_wait3A_68 = tpu.memref_slice %arg7[%mul3A_55, %dma_wait3A_67] : memref<10000x128xf32, #tpu.memory_space<vmem_shared>> -> memref<80x128xf32, #tpu.memory_space<vmem_shared>>
        %dma_wait3A_69 = arith.constant 0 : i32
        %dma_wait3A_70 = tpu.memref_slice %arg7[%mul3A_55, %dma_wait3A_69] : memref<10000x128xf32, #tpu.memory_space<vmem_shared>> -> memref<80x128xf32, #tpu.memory_space<vmem_shared>>
        %dma_wait3A_71 = arith.constant 0 : i32
        %dma_wait3A_72 = arith.constant 0 : i32
        %dma_wait3A_73 = tpu.memref_slice %arg11[%dma_wait3A_71, %dma_wait3A_72] : memref<128x128xf32, #tpu.memory_space<vmem>> -> memref<80x128xf32, #tpu.memory_space<vmem>>
        tpu.wait_dma2 semaphore(%run_scoped3A : memref<!tpu.dma_semaphore, #tpu.memory_space<semaphore_mem>>) src(%dma_wait3A_73 : memref<80x128xf32, #tpu.memory_space<vmem>>) dst(%dma_wait3A_70 : memref<80x128xf32, #tpu.memory_space<vmem_shared>>)
        tpu.yield
      }) : () -> ()
    }
    %while3A_20 = arith.constant 1 : i32
    scf.for %while3A_51 = %while3A_18 to %while3A_14 step %while3A_20  : i32 {
      %mul3A_52 = arith.muli %while3A_51, %while3A : i32
      %add3A_53 = arith.addi %arg1, %mul3A_52 : i32
      %mul3A_54 = arith.constant 80 : i32
      %mul3A_55 = arith.muli %add3A_53, %mul3A_54 : i32
      "tpu.region"() ({
        %run_scoped3A = tpu.sem_alloc : memref<!tpu.dma_semaphore, #tpu.memory_space<semaphore_mem>>
        %dma_start3A = arith.constant 0 : i32
        %dma_start3A_56 = arith.constant 0 : i32
        %dma_start3A_57 = tpu.memref_slice %arg11[%dma_start3A, %dma_start3A_56] : memref<128x128xf32, #tpu.memory_space<vmem>> -> memref<80x128xf32, #tpu.memory_space<vmem>>
        %dma_start3A_58 = arith.constant 0 : i32
        %dma_start3A_59 = tpu.memref_slice %arg7[%mul3A_55, %dma_start3A_58] : memref<10000x128xf32, #tpu.memory_space<vmem_shared>> -> memref<80x128xf32, #tpu.memory_space<vmem_shared>>
        %dma_start3A_60 = arith.constant 0 : i32
        %dma_start3A_61 = tpu.memref_slice %arg7[%mul3A_55, %dma_start3A_60] : memref<10000x128xf32, #tpu.memory_space<vmem_shared>> -> memref<80x128xf32, #tpu.memory_space<vmem_shared>>
        %dma_start3A_62 = arith.constant 0 : i32
        %dma_start3A_63 = arith.constant 0 : i32
        %dma_start3A_64 = tpu.memref_slice %arg11[%dma_start3A_62, %dma_start3A_63] : memref<128x128xf32, #tpu.memory_space<vmem>> -> memref<80x128xf32, #tpu.memory_space<vmem>>
        tpu.enqueue_dma source(%dma_start3A_64 : memref<80x128xf32, #tpu.memory_space<vmem>>) target(%dma_start3A_61 : memref<80x128xf32, #tpu.memory_space<vmem_shared>>) target_semaphore(%run_scoped3A : memref<!tpu.dma_semaphore, #tpu.memory_space<semaphore_mem>>)
        %dma_wait3A = arith.constant 0 : i32
        %dma_wait3A_65 = arith.constant 0 : i32
        %dma_wait3A_66 = tpu.memref_slice %arg11[%dma_wait3A, %dma_wait3A_65] : memref<128x128xf32, #tpu.memory_space<vmem>> -> memref<80x128xf32, #tpu.memory_space<vmem>>
        %dma_wait3A_67 = arith.constant 0 : i32
        %dma_wait3A_68 = tpu.memref_slice %arg7[%mul3A_55, %dma_wait3A_67] : memref<10000x128xf32, #tpu.memory_space<vmem_shared>> -> memref<80x128xf32, #tpu.memory_space<vmem_shared>>
        %dma_wait3A_69 = arith.constant 0 : i32
        %dma_wait3A_70 = tpu.memref_slice %arg7[%mul3A_55, %dma_wait3A_69] : memref<10000x128xf32, #tpu.memory_space<vmem_shared>> -> memref<80x128xf32, #tpu.memory_space<vmem_shared>>
        %dma_wait3A_71 = arith.constant 0 : i32
        %dma_wait3A_72 = arith.constant 0 : i32
        %dma_wait3A_73 = tpu.memref_slice %arg11[%dma_wait3A_71, %dma_wait3A_72] : memref<128x128xf32, #tpu.memory_space<vmem>> -> memref<80x128xf32, #tpu.memory_space<vmem>>
        tpu.wait_dma2 semaphore(%run_scoped3A : memref<!tpu.dma_semaphore, #tpu.memory_space<semaphore_mem>>) src(%dma_wait3A_73 : memref<80x128xf32, #tpu.memory_space<vmem>>) dst(%dma_wait3A_70 : memref<80x128xf32, #tpu.memory_space<vmem_shared>>)
        tpu.yield
      }) : () -> ()
    }
    %mul3A_21 = arith.constant 10240 : i32
    %mul3A_22 = arith.muli %add3A, %mul3A_21 : i32
    "tpu.region"() ({
      %run_scoped3A = tpu.sem_alloc : memref<!tpu.dma_semaphore, #tpu.memory_space<semaphore_mem>>
      %dma_start3A = tpu.memref_slice %arg3[%mul3A_22] : memref<327680xi32, #tpu.memory_space<hbm>> -> memref<10240xi32, #tpu.memory_space<hbm>>
      %dma_start3A_51 = tpu.memref_slice %arg3[%mul3A_22] : memref<327680xi32, #tpu.memory_space<hbm>> -> memref<10240xi32, #tpu.memory_space<hbm>>
      tpu.enqueue_dma source(%dma_start3A_51 : memref<10240xi32, #tpu.memory_space<hbm>>) target(%arg8 : memref<10240xi32, #tpu.memory_space<vmem>>) target_semaphore(%run_scoped3A : memref<!tpu.dma_semaphore, #tpu.memory_space<semaphore_mem>>)
      %dma_wait3A = tpu.memref_slice %arg3[%mul3A_22] : memref<327680xi32, #tpu.memory_space<hbm>> -> memref<10240xi32, #tpu.memory_space<hbm>>
      %dma_wait3A_52 = tpu.memref_slice %arg3[%mul3A_22] : memref<327680xi32, #tpu.memory_space<hbm>> -> memref<10240xi32, #tpu.memory_space<hbm>>
      tpu.wait_dma2 semaphore(%run_scoped3A : memref<!tpu.dma_semaphore, #tpu.memory_space<semaphore_mem>>) src(%dma_wait3A_52 : memref<10240xi32, #tpu.memory_space<hbm>>) dst(%arg8 : memref<10240xi32, #tpu.memory_space<vmem>>)
      tpu.yield
    }) : () -> ()
    %mul3A_23 = arith.constant 80 : i32
    %mul3A_24 = arith.muli %add3A, %mul3A_23 : i32
    "tpu.region"() ({
      %run_scoped3A = tpu.sem_alloc : memref<!tpu.dma_semaphore, #tpu.memory_space<semaphore_mem>>
      %dma_start3A = arith.constant 0 : i32
      %dma_start3A_51 = tpu.memref_slice %arg4[%mul3A_24, %dma_start3A] : memref<2560x128xi32, #tpu.memory_space<hbm>> -> memref<80x128xi32, #tpu.memory_space<hbm>>
      %dma_start3A_52 = arith.constant 0 : i32
      %dma_start3A_53 = tpu.memref_slice %arg4[%mul3A_24, %dma_start3A_52] : memref<2560x128xi32, #tpu.memory_space<hbm>> -> memref<80x128xi32, #tpu.memory_space<hbm>>
      tpu.enqueue_dma source(%dma_start3A_53 : memref<80x128xi32, #tpu.memory_space<hbm>>) target(%arg9 : memref<80x128xi32, #tpu.memory_space<vmem>>) target_semaphore(%run_scoped3A : memref<!tpu.dma_semaphore, #tpu.memory_space<semaphore_mem>>)
      %dma_wait3A = arith.constant 0 : i32
      %dma_wait3A_54 = tpu.memref_slice %arg4[%mul3A_24, %dma_wait3A] : memref<2560x128xi32, #tpu.memory_space<hbm>> -> memref<80x128xi32, #tpu.memory_space<hbm>>
      %dma_wait3A_55 = arith.constant 0 : i32
      %dma_wait3A_56 = tpu.memref_slice %arg4[%mul3A_24, %dma_wait3A_55] : memref<2560x128xi32, #tpu.memory_space<hbm>> -> memref<80x128xi32, #tpu.memory_space<hbm>>
      tpu.wait_dma2 semaphore(%run_scoped3A : memref<!tpu.dma_semaphore, #tpu.memory_space<semaphore_mem>>) src(%dma_wait3A_56 : memref<80x128xi32, #tpu.memory_space<hbm>>) dst(%arg9 : memref<80x128xi32, #tpu.memory_space<vmem>>)
      tpu.yield
    }) : () -> ()
    %mul3A_25 = arith.constant 10240 : i32
    %mul3A_26 = arith.muli %add3A, %mul3A_25 : i32
    "tpu.region"() ({
      %run_scoped3A = tpu.sem_alloc : memref<!tpu.dma_semaphore, #tpu.memory_space<semaphore_mem>>
      %dma_start3A = tpu.memref_slice %arg5[%mul3A_26] : memref<327680xf32, #tpu.memory_space<hbm>> -> memref<10240xf32, #tpu.memory_space<hbm>>
      %dma_start3A_51 = tpu.memref_slice %arg5[%mul3A_26] : memref<327680xf32, #tpu.memory_space<hbm>> -> memref<10240xf32, #tpu.memory_space<hbm>>
      tpu.enqueue_dma source(%dma_start3A_51 : memref<10240xf32, #tpu.memory_space<hbm>>) target(%arg10 : memref<10240xf32, #tpu.memory_space<vmem>>) target_semaphore(%run_scoped3A : memref<!tpu.dma_semaphore, #tpu.memory_space<semaphore_mem>>)
      %dma_wait3A = tpu.memref_slice %arg5[%mul3A_26] : memref<327680xf32, #tpu.memory_space<hbm>> -> memref<10240xf32, #tpu.memory_space<hbm>>
      %dma_wait3A_52 = tpu.memref_slice %arg5[%mul3A_26] : memref<327680xf32, #tpu.memory_space<hbm>> -> memref<10240xf32, #tpu.memory_space<hbm>>
      tpu.wait_dma2 semaphore(%run_scoped3A : memref<!tpu.dma_semaphore, #tpu.memory_space<semaphore_mem>>) src(%dma_wait3A_52 : memref<10240xf32, #tpu.memory_space<hbm>>) dst(%arg10 : memref<10240xf32, #tpu.memory_space<vmem>>)
      tpu.yield
    }) : () -> ()
    %barrier3A = arith.constant 0 : index
    tpu.barrier barrier_id(%barrier3A)
    %scan3A_27 = arith.constant 0 : i32
    %scan3A_28 = arith.constant 80 : i32
    %scan3A_29 = arith.addi %scan3A_27, %scan3A_28 : i32
    %scan3A_30 = arith.constant 1 : i32
    scf.for %scan3A_51 = %scan3A_27 to %scan3A_29 step %scan3A_30  : i32 {
      %mul3A_52 = arith.constant 1 : i32
      %mul3A_53 = arith.muli %scan3A_51, %mul3A_52 : i32
      %add3A_54 = arith.constant 0 : i32
      %add3A_55 = arith.addi %add3A_54, %mul3A_53 : i32
      %mul3A_56 = arith.constant 128 : i32
      %mul3A_57 = arith.muli %add3A_55, %mul3A_56 : i32
      %dma_start3A = tpu.memref_slice %arg8[%mul3A_57] : memref<10240xi32, #tpu.memory_space<vmem>> -> memref<128xi32, #tpu.memory_space<vmem>>
      %dma_start3A_58 = arith.constant 0 : i32
      %dma_start3A_59 = arith.constant 0 : i32
      %dma_start3A_60 = tpu.memref_slice %arg2[%dma_start3A_58, %dma_start3A_59] : memref<10000x128xf32, #tpu.memory_space<hbm>> -> memref<10000x128xf32, #tpu.memory_space<hbm>>
      tpu.enqueue_indirect_dma source(%dma_start3A_60 : memref<10000x128xf32, #tpu.memory_space<hbm>>) target(%arg11 : memref<128x128xf32, #tpu.memory_space<vmem>>) offsets(%dma_start3A : memref<128xi32, #tpu.memory_space<vmem>>) semaphore(%arg12 : memref<!tpu.dma_semaphore, #tpu.memory_space<semaphore_mem>>)
      %dma_wait3A = tpu.memref_slice %arg8[%mul3A_57] : memref<10240xi32, #tpu.memory_space<vmem>> -> memref<128xi32, #tpu.memory_space<vmem>>
      %dma_wait3A_61 = arith.constant 0 : i32
      %dma_wait3A_62 = arith.constant 0 : i32
      %dma_wait3A_63 = tpu.memref_slice %arg2[%dma_wait3A_61, %dma_wait3A_62] : memref<10000x128xf32, #tpu.memory_space<hbm>> -> memref<10000x128xf32, #tpu.memory_space<hbm>>
      tpu.wait_indirect_dma semaphore(%arg12 : memref<!tpu.dma_semaphore, #tpu.memory_space<semaphore_mem>>) src(%dma_wait3A_63 : memref<10000x128xf32, #tpu.memory_space<hbm>>) dst(%arg11 : memref<128x128xf32, #tpu.memory_space<vmem>>)
      %scan3A_64 = arith.constant 0 : i32
      %scan3A_65 = arith.constant 128 : i32
      %scan3A_66 = arith.addi %scan3A_64, %scan3A_65 : i32
      %scan3A_67 = arith.constant 1 : i32
      scf.for %scan3A_81 = %scan3A_64 to %scan3A_66 step %scan3A_67  : i32 {
        %mul3A_82 = arith.constant 1 : i32
        %mul3A_83 = arith.muli %scan3A_81, %mul3A_82 : i32
        %add3A_84 = arith.constant 0 : i32
        %add3A_85 = arith.addi %add3A_84, %mul3A_83 : i32
        %mul3A_86 = arith.constant 128 : i32
        %mul3A_87 = arith.muli %add3A_55, %mul3A_86 : i32
        %add3A_88 = arith.addi %mul3A_87, %add3A_85 : i32
        %broadcast_in_dim3A_89 = vector.broadcast %add3A_88 : i32 to vector<16xi32>
        %gather3A = tpu.vector_load_idx %arg10[%broadcast_in_dim3A_89] : memref<10240xf32, #tpu.memory_space<vmem>>[vector<16xi32>], vector<16xf32>,
        %get3A = arith.index_cast %add3A_85 : i32 to index
        %get3A_90 = arith.constant 0 : index
        %get3A_91 = tpu.vector_load %arg11[%get3A, %get3A_90] {strides = array<i32>} : memref<128x128xf32, #tpu.memory_space<vmem>>, vector<16xf32>,
        %mul3A_92 = arith.mulf %get3A_91, %gather3A : vector<16xf32>
        %swap3A = arith.index_cast %add3A_85 : i32 to index
        %swap3A_93 = arith.constant 0 : index
        %swap3A_94 = tpu.vector_load %arg11[%swap3A, %swap3A_93] {strides = array<i32>} : memref<128x128xf32, #tpu.memory_space<vmem>>, vector<16xf32>,
        tpu.vector_store %arg11[%swap3A, %swap3A_93], %mul3A_92 {strides = array<i32>} : memref<128x128xf32, #tpu.memory_space<vmem>>, vector<16xf32>,
        %get3A_95 = arith.index_cast %add3A_85 : i32 to index
        %get3A_96 = arith.constant 16 : index
        %get3A_97 = tpu.vector_load %arg11[%get3A_95, %get3A_96] {strides = array<i32>} : memref<128x128xf32, #tpu.memory_space<vmem>>, vector<16xf32>,
        %mul3A_98 = arith.mulf %get3A_97, %gather3A : vector<16xf32>
        %swap3A_99 = arith.index_cast %add3A_85 : i32 to index
        %swap3A_100 = arith.constant 16 : index
        %swap3A_101 = tpu.vector_load %arg11[%swap3A_99, %swap3A_100] {strides = array<i32>} : memref<128x128xf32, #tpu.memory_space<vmem>>, vector<16xf32>,
        tpu.vector_store %arg11[%swap3A_99, %swap3A_100], %mul3A_98 {strides = array<i32>} : memref<128x128xf32, #tpu.memory_space<vmem>>, vector<16xf32>,
        %get3A_102 = arith.index_cast %add3A_85 : i32 to index
        %get3A_103 = arith.constant 32 : index
        %get3A_104 = tpu.vector_load %arg11[%get3A_102, %get3A_103] {strides = array<i32>} : memref<128x128xf32, #tpu.memory_space<vmem>>, vector<16xf32>,
        %mul3A_105 = arith.mulf %get3A_104, %gather3A : vector<16xf32>
        %swap3A_106 = arith.index_cast %add3A_85 : i32 to index
        %swap3A_107 = arith.constant 32 : index
        %swap3A_108 = tpu.vector_load %arg11[%swap3A_106, %swap3A_107] {strides = array<i32>} : memref<128x128xf32, #tpu.memory_space<vmem>>, vector<16xf32>,
        tpu.vector_store %arg11[%swap3A_106, %swap3A_107], %mul3A_105 {strides = array<i32>} : memref<128x128xf32, #tpu.memory_space<vmem>>, vector<16xf32>,
        %get3A_109 = arith.index_cast %add3A_85 : i32 to index
        %get3A_110 = arith.constant 48 : index
        %get3A_111 = tpu.vector_load %arg11[%get3A_109, %get3A_110] {strides = array<i32>} : memref<128x128xf32, #tpu.memory_space<vmem>>, vector<16xf32>,
        %mul3A_112 = arith.mulf %get3A_111, %gather3A : vector<16xf32>
        %swap3A_113 = arith.index_cast %add3A_85 : i32 to index
        %swap3A_114 = arith.constant 48 : index
        %swap3A_115 = tpu.vector_load %arg11[%swap3A_113, %swap3A_114] {strides = array<i32>} : memref<128x128xf32, #tpu.memory_space<vmem>>, vector<16xf32>,
        tpu.vector_store %arg11[%swap3A_113, %swap3A_114], %mul3A_112 {strides = array<i32>} : memref<128x128xf32, #tpu.memory_space<vmem>>, vector<16xf32>,
        %get3A_116 = arith.index_cast %add3A_85 : i32 to index
        %get3A_117 = arith.constant 64 : index
        %get3A_118 = tpu.vector_load %arg11[%get3A_116, %get3A_117] {strides = array<i32>} : memref<128x128xf32, #tpu.memory_space<vmem>>, vector<16xf32>,
        %mul3A_119 = arith.mulf %get3A_118, %gather3A : vector<16xf32>
        %swap3A_120 = arith.index_cast %add3A_85 : i32 to index
        %swap3A_121 = arith.constant 64 : index
        %swap3A_122 = tpu.vector_load %arg11[%swap3A_120, %swap3A_121] {strides = array<i32>} : memref<128x128xf32, #tpu.memory_space<vmem>>, vector<16xf32>,
        tpu.vector_store %arg11[%swap3A_120, %swap3A_121], %mul3A_119 {strides = array<i32>} : memref<128x128xf32, #tpu.memory_space<vmem>>, vector<16xf32>,
        %get3A_123 = arith.index_cast %add3A_85 : i32 to index
        %get3A_124 = arith.constant 80 : index
        %get3A_125 = tpu.vector_load %arg11[%get3A_123, %get3A_124] {strides = array<i32>} : memref<128x128xf32, #tpu.memory_space<vmem>>, vector<16xf32>,
        %mul3A_126 = arith.mulf %get3A_125, %gather3A : vector<16xf32>
        %swap3A_127 = arith.index_cast %add3A_85 : i32 to index
        %swap3A_128 = arith.constant 80 : index
        %swap3A_129 = tpu.vector_load %arg11[%swap3A_127, %swap3A_128] {strides = array<i32>} : memref<128x128xf32, #tpu.memory_space<vmem>>, vector<16xf32>,
        tpu.vector_store %arg11[%swap3A_127, %swap3A_128], %mul3A_126 {strides = array<i32>} : memref<128x128xf32, #tpu.memory_space<vmem>>, vector<16xf32>,
        %get3A_130 = arith.index_cast %add3A_85 : i32 to index
        %get3A_131 = arith.constant 96 : index
        %get3A_132 = tpu.vector_load %arg11[%get3A_130, %get3A_131] {strides = array<i32>} : memref<128x128xf32, #tpu.memory_space<vmem>>, vector<16xf32>,
        %mul3A_133 = arith.mulf %get3A_132, %gather3A : vector<16xf32>
        %swap3A_134 = arith.index_cast %add3A_85 : i32 to index
        %swap3A_135 = arith.constant 96 : index
        %swap3A_136 = tpu.vector_load %arg11[%swap3A_134, %swap3A_135] {strides = array<i32>} : memref<128x128xf32, #tpu.memory_space<vmem>>, vector<16xf32>,
        tpu.vector_store %arg11[%swap3A_134, %swap3A_135], %mul3A_133 {strides = array<i32>} : memref<128x128xf32, #tpu.memory_space<vmem>>, vector<16xf32>,
        %get3A_137 = arith.index_cast %add3A_85 : i32 to index
        %get3A_138 = arith.constant 112 : index
        %get3A_139 = tpu.vector_load %arg11[%get3A_137, %get3A_138] {strides = array<i32>} : memref<128x128xf32, #tpu.memory_space<vmem>>, vector<16xf32>,
        %mul3A_140 = arith.mulf %get3A_139, %gather3A : vector<16xf32>
        %swap3A_141 = arith.index_cast %add3A_85 : i32 to index
        %swap3A_142 = arith.constant 112 : index
        %swap3A_143 = tpu.vector_load %arg11[%swap3A_141, %swap3A_142] {strides = array<i32>} : memref<128x128xf32, #tpu.memory_space<vmem>>, vector<16xf32>,
        tpu.vector_store %arg11[%swap3A_141, %swap3A_142], %mul3A_140 {strides = array<i32>} : memref<128x128xf32, #tpu.memory_space<vmem>>, vector<16xf32>,
      }
      %scan3A_68 = arith.constant 128 : i32
      %dma_start3A_69 = arith.constant 0 : i32
      %dma_start3A_70 = tpu.memref_slice %arg9[%add3A_55, %dma_start3A_69] : memref<80x128xi32, #tpu.memory_space<vmem>> -> memref<1x128xi32, #tpu.memory_space<vmem>>
      %dma_start3A_71 = tpu.memref_squeeze %dma_start3A_70 : memref<1x128xi32, #tpu.memory_space<vmem>> -> memref<128xi32, #tpu.memory_space<vmem>>
      %dma_start3A_72 = arith.constant 0 : i32
      %dma_start3A_73 = arith.constant 0 : i32
      %dma_start3A_74 = tpu.memref_slice %arg7[%dma_start3A_72, %dma_start3A_73] : memref<10000x128xf32, #tpu.memory_space<vmem_shared>> -> memref<10000x128xf32, #tpu.memory_space<vmem_shared>>
      tpu.enqueue_indirect_dma source(%arg11 : memref<128x128xf32, #tpu.memory_space<vmem>>) target(%dma_start3A_74 : memref<10000x128xf32, #tpu.memory_space<vmem_shared>>) offsets(%dma_start3A_71 : memref<128xi32, #tpu.memory_space<vmem>>) semaphore(%arg12 : memref<!tpu.dma_semaphore, #tpu.memory_space<semaphore_mem>>) {add = true}
      %dma_wait3A_75 = arith.constant 0 : i32
      %dma_wait3A_76 = tpu.memref_slice %arg9[%add3A_55, %dma_wait3A_75] : memref<80x128xi32, #tpu.memory_space<vmem>> -> memref<1x128xi32, #tpu.memory_space<vmem>>
      %dma_wait3A_77 = tpu.memref_squeeze %dma_wait3A_76 : memref<1x128xi32, #tpu.memory_space<vmem>> -> memref<128xi32, #tpu.memory_space<vmem>>
      %dma_wait3A_78 = arith.constant 0 : i32
      %dma_wait3A_79 = arith.constant 0 : i32
      %dma_wait3A_80 = tpu.memref_slice %arg7[%dma_wait3A_78, %dma_wait3A_79] : memref<10000x128xf32, #tpu.memory_space<vmem_shared>> -> memref<10000x128xf32, #tpu.memory_space<vmem_shared>>
      tpu.wait_indirect_dma semaphore(%arg12 : memref<!tpu.dma_semaphore, #tpu.memory_space<semaphore_mem>>) src(%arg11 : memref<128x128xf32, #tpu.memory_space<vmem>>) dst(%dma_wait3A_80 : memref<10000x128xf32, #tpu.memory_space<vmem_shared>>)
    }
    %scan3A_31 = arith.constant 80 : i32
    %barrier3A_32 = arith.constant 0 : index
    tpu.barrier barrier_id(%barrier3A_32)
    %sub3A_33 = arith.constant 125 : i32
    %sub3A_34 = arith.subi %sub3A_33, %arg1 : i32
    %sub3A_35 = arith.constant 16 : i32
    %sub3A_36 = arith.constant 1 : i32
    %sub3A_37 = arith.subi %sub3A_35, %sub3A_36 : i32
    %add3A_38 = arith.addi %sub3A_34, %sub3A_37 : i32
    %div3A_39 = arith.constant 16 : i32
    %div3A_40 = arith.divsi %add3A_38, %div3A_39 : i32
    %while3A_41 = arith.constant 16 : i32
    %while3A_42 = arith.constant 0 : i32
    %while3A_43 = arith.subi %div3A_40, %while3A_42 : i32
    %while3A_44 = arith.addi %while3A_42, %while3A_43 : i32
    %while3A_45 = arith.constant 1 : i32
    %while3A_46 = arith.divsi %while3A_43, %while3A_45 : i32
    %while3A_47 = arith.muli %while3A_46, %while3A_45 : i32
    %while3A_48 = arith.addi %while3A_42, %while3A_47 : i32
    %while3A_49 = arith.constant 1 : i32
    scf.for %while3A_51 = %while3A_42 to %while3A_48 step %while3A_49  : i32 {
      %mul3A_52 = arith.muli %while3A_51, %while3A_41 : i32
      %add3A_53 = arith.addi %arg1, %mul3A_52 : i32
      %mul3A_54 = arith.constant 80 : i32
      %mul3A_55 = arith.muli %add3A_53, %mul3A_54 : i32
      "tpu.region"() ({
        %run_scoped3A = tpu.sem_alloc : memref<!tpu.dma_semaphore, #tpu.memory_space<semaphore_mem>>
        %dma_start3A = arith.constant 0 : i32
        %dma_start3A_58 = arith.constant 0 : i32
        %dma_start3A_59 = tpu.memref_slice %arg11[%dma_start3A, %dma_start3A_58] : memref<128x128xf32, #tpu.memory_space<vmem>> -> memref<80x128xf32, #tpu.memory_space<vmem>>
        %dma_start3A_60 = arith.constant 0 : i32
        %dma_start3A_61 = tpu.memref_slice %arg7[%mul3A_55, %dma_start3A_60] : memref<10000x128xf32, #tpu.memory_space<vmem_shared>> -> memref<80x128xf32, #tpu.memory_space<vmem_shared>>
        %dma_start3A_62 = arith.constant 0 : i32
        %dma_start3A_63 = arith.constant 0 : i32
        %dma_start3A_64 = tpu.memref_slice %arg11[%dma_start3A_62, %dma_start3A_63] : memref<128x128xf32, #tpu.memory_space<vmem>> -> memref<80x128xf32, #tpu.memory_space<vmem>>
        %dma_start3A_65 = arith.constant 0 : i32
        %dma_start3A_66 = tpu.memref_slice %arg7[%mul3A_55, %dma_start3A_65] : memref<10000x128xf32, #tpu.memory_space<vmem_shared>> -> memref<80x128xf32, #tpu.memory_space<vmem_shared>>
        tpu.enqueue_dma source(%dma_start3A_66 : memref<80x128xf32, #tpu.memory_space<vmem_shared>>) target(%dma_start3A_64 : memref<80x128xf32, #tpu.memory_space<vmem>>) target_semaphore(%run_scoped3A : memref<!tpu.dma_semaphore, #tpu.memory_space<semaphore_mem>>)
        %dma_wait3A = arith.constant 0 : i32
        %dma_wait3A_67 = arith.constant 0 : i32
        %dma_wait3A_68 = tpu.memref_slice %arg11[%dma_wait3A, %dma_wait3A_67] : memref<128x128xf32, #tpu.memory_space<vmem>> -> memref<80x128xf32, #tpu.memory_space<vmem>>
        %dma_wait3A_69 = arith.constant 0 : i32
        %dma_wait3A_70 = tpu.memref_slice %arg7[%mul3A_55, %dma_wait3A_69] : memref<10000x128xf32, #tpu.memory_space<vmem_shared>> -> memref<80x128xf32, #tpu.memory_space<vmem_shared>>
        %dma_wait3A_71 = arith.constant 0 : i32
        %dma_wait3A_72 = arith.constant 0 : i32
        %dma_wait3A_73 = tpu.memref_slice %arg11[%dma_wait3A_71, %dma_wait3A_72] : memref<128x128xf32, #tpu.memory_space<vmem>> -> memref<80x128xf32, #tpu.memory_space<vmem>>
        %dma_wait3A_74 = arith.constant 0 : i32
        %dma_wait3A_75 = tpu.memref_slice %arg7[%mul3A_55, %dma_wait3A_74] : memref<10000x128xf32, #tpu.memory_space<vmem_shared>> -> memref<80x128xf32, #tpu.memory_space<vmem_shared>>
        tpu.wait_dma2 semaphore(%run_scoped3A : memref<!tpu.dma_semaphore, #tpu.memory_space<semaphore_mem>>) src(%dma_wait3A_75 : memref<80x128xf32, #tpu.memory_space<vmem_shared>>) dst(%dma_wait3A_73 : memref<80x128xf32, #tpu.memory_space<vmem>>)
        tpu.yield
      }) : () -> ()
      %mul3A_56 = arith.constant 80 : i32
      %mul3A_57 = arith.muli %add3A_53, %mul3A_56 : i32
      "tpu.region"() ({
        %run_scoped3A = tpu.sem_alloc : memref<!tpu.dma_semaphore, #tpu.memory_space<semaphore_mem>>
        %dma_start3A = arith.constant 0 : i32
        %dma_start3A_58 = arith.constant 0 : i32
        %dma_start3A_59 = tpu.memref_slice %arg11[%dma_start3A, %dma_start3A_58] : memref<128x128xf32, #tpu.memory_space<vmem>> -> memref<80x128xf32, #tpu.memory_space<vmem>>
        %dma_start3A_60 = arith.constant 0 : i32
        %dma_start3A_61 = tpu.memref_slice %arg6[%arg0, %mul3A_57, %dma_start3A_60] : memref<2x10000x128xf32, #tpu.memory_space<hbm>> -> memref<1x80x128xf32, #tpu.memory_space<hbm>>
        %dma_start3A_62 = tpu.memref_squeeze %dma_start3A_61 : memref<1x80x128xf32, #tpu.memory_space<hbm>> -> memref<80x128xf32, #tpu.memory_space<hbm>>
        %dma_start3A_63 = arith.constant 0 : i32
        %dma_start3A_64 = tpu.memref_slice %arg6[%arg0, %mul3A_57, %dma_start3A_63] : memref<2x10000x128xf32, #tpu.memory_space<hbm>> -> memref<1x80x128xf32, #tpu.memory_space<hbm>>
        %dma_start3A_65 = tpu.memref_squeeze %dma_start3A_64 : memref<1x80x128xf32, #tpu.memory_space<hbm>> -> memref<80x128xf32, #tpu.memory_space<hbm>>
        %dma_start3A_66 = arith.constant 0 : i32
        %dma_start3A_67 = arith.constant 0 : i32
        %dma_start3A_68 = tpu.memref_slice %arg11[%dma_start3A_66, %dma_start3A_67] : memref<128x128xf32, #tpu.memory_space<vmem>> -> memref<80x128xf32, #tpu.memory_space<vmem>>
        tpu.enqueue_dma source(%dma_start3A_68 : memref<80x128xf32, #tpu.memory_space<vmem>>) target(%dma_start3A_65 : memref<80x128xf32, #tpu.memory_space<hbm>>) target_semaphore(%run_scoped3A : memref<!tpu.dma_semaphore, #tpu.memory_space<semaphore_mem>>)
        %dma_wait3A = arith.constant 0 : i32
        %dma_wait3A_69 = arith.constant 0 : i32
        %dma_wait3A_70 = tpu.memref_slice %arg11[%dma_wait3A, %dma_wait3A_69] : memref<128x128xf32, #tpu.memory_space<vmem>> -> memref<80x128xf32, #tpu.memory_space<vmem>>
        %dma_wait3A_71 = arith.constant 0 : i32
        %dma_wait3A_72 = tpu.memref_slice %arg6[%arg0, %mul3A_57, %dma_wait3A_71] : memref<2x10000x128xf32, #tpu.memory_space<hbm>> -> memref<1x80x128xf32, #tpu.memory_space<hbm>>
        %dma_wait3A_73 = tpu.memref_squeeze %dma_wait3A_72 : memref<1x80x128xf32, #tpu.memory_space<hbm>> -> memref<80x128xf32, #tpu.memory_space<hbm>>
        %dma_wait3A_74 = arith.constant 0 : i32
        %dma_wait3A_75 = tpu.memref_slice %arg6[%arg0, %mul3A_57, %dma_wait3A_74] : memref<2x10000x128xf32, #tpu.memory_space<hbm>> -> memref<1x80x128xf32, #tpu.memory_space<hbm>>
        %dma_wait3A_76 = tpu.memref_squeeze %dma_wait3A_75 : memref<1x80x128xf32, #tpu.memory_space<hbm>> -> memref<80x128xf32, #tpu.memory_space<hbm>>
        %dma_wait3A_77 = arith.constant 0 : i32
        %dma_wait3A_78 = arith.constant 0 : i32
        %dma_wait3A_79 = tpu.memref_slice %arg11[%dma_wait3A_77, %dma_wait3A_78] : memref<128x128xf32, #tpu.memory_space<vmem>> -> memref<80x128xf32, #tpu.memory_space<vmem>>
        tpu.wait_dma2 semaphore(%run_scoped3A : memref<!tpu.dma_semaphore, #tpu.memory_space<semaphore_mem>>) src(%dma_wait3A_79 : memref<80x128xf32, #tpu.memory_space<vmem>>) dst(%dma_wait3A_76 : memref<80x128xf32, #tpu.memory_space<hbm>>)
        tpu.yield
      }) : () -> ()
    }
    %while3A_50 = arith.constant 1 : i32
    scf.for %while3A_51 = %while3A_48 to %while3A_44 step %while3A_50  : i32 {
      %mul3A_52 = arith.muli %while3A_51, %while3A_41 : i32
      %add3A_53 = arith.addi %arg1, %mul3A_52 : i32
      %mul3A_54 = arith.constant 80 : i32
      %mul3A_55 = arith.muli %add3A_53, %mul3A_54 : i32
      "tpu.region"() ({
        %run_scoped3A = tpu.sem_alloc : memref<!tpu.dma_semaphore, #tpu.memory_space<semaphore_mem>>
        %dma_start3A = arith.constant 0 : i32
        %dma_start3A_58 = arith.constant 0 : i32
        %dma_start3A_59 = tpu.memref_slice %arg11[%dma_start3A, %dma_start3A_58] : memref<128x128xf32, #tpu.memory_space<vmem>> -> memref<80x128xf32, #tpu.memory_space<vmem>>
        %dma_start3A_60 = arith.constant 0 : i32
        %dma_start3A_61 = tpu.memref_slice %arg7[%mul3A_55, %dma_start3A_60] : memref<10000x128xf32, #tpu.memory_space<vmem_shared>> -> memref<80x128xf32, #tpu.memory_space<vmem_shared>>
        %dma_start3A_62 = arith.constant 0 : i32
        %dma_start3A_63 = arith.constant 0 : i32
        %dma_start3A_64 = tpu.memref_slice %arg11[%dma_start3A_62, %dma_start3A_63] : memref<128x128xf32, #tpu.memory_space<vmem>> -> memref<80x128xf32, #tpu.memory_space<vmem>>
        %dma_start3A_65 = arith.constant 0 : i32
        %dma_start3A_66 = tpu.memref_slice %arg7[%mul3A_55, %dma_start3A_65] : memref<10000x128xf32, #tpu.memory_space<vmem_shared>> -> memref<80x128xf32, #tpu.memory_space<vmem_shared>>
        tpu.enqueue_dma source(%dma_start3A_66 : memref<80x128xf32, #tpu.memory_space<vmem_shared>>) target(%dma_start3A_64 : memref<80x128xf32, #tpu.memory_space<vmem>>) target_semaphore(%run_scoped3A : memref<!tpu.dma_semaphore, #tpu.memory_space<semaphore_mem>>)
        %dma_wait3A = arith.constant 0 : i32
        %dma_wait3A_67 = arith.constant 0 : i32
        %dma_wait3A_68 = tpu.memref_slice %arg11[%dma_wait3A, %dma_wait3A_67] : memref<128x128xf32, #tpu.memory_space<vmem>> -> memref<80x128xf32, #tpu.memory_space<vmem>>
        %dma_wait3A_69 = arith.constant 0 : i32
        %dma_wait3A_70 = tpu.memref_slice %arg7[%mul3A_55, %dma_wait3A_69] : memref<10000x128xf32, #tpu.memory_space<vmem_shared>> -> memref<80x128xf32, #tpu.memory_space<vmem_shared>>
        %dma_wait3A_71 = arith.constant 0 : i32
        %dma_wait3A_72 = arith.constant 0 : i32
        %dma_wait3A_73 = tpu.memref_slice %arg11[%dma_wait3A_71, %dma_wait3A_72] : memref<128x128xf32, #tpu.memory_space<vmem>> -> memref<80x128xf32, #tpu.memory_space<vmem>>
        %dma_wait3A_74 = arith.constant 0 : i32
        %dma_wait3A_75 = tpu.memref_slice %arg7[%mul3A_55, %dma_wait3A_74] : memref<10000x128xf32, #tpu.memory_space<vmem_shared>> -> memref<80x128xf32, #tpu.memory_space<vmem_shared>>
        tpu.wait_dma2 semaphore(%run_scoped3A : memref<!tpu.dma_semaphore, #tpu.memory_space<semaphore_mem>>) src(%dma_wait3A_75 : memref<80x128xf32, #tpu.memory_space<vmem_shared>>) dst(%dma_wait3A_73 : memref<80x128xf32, #tpu.memory_space<vmem>>)
        tpu.yield
      }) : () -> ()
      %mul3A_56 = arith.constant 80 : i32
      %mul3A_57 = arith.muli %add3A_53, %mul3A_56 : i32
      "tpu.region"() ({
        %run_scoped3A = tpu.sem_alloc : memref<!tpu.dma_semaphore, #tpu.memory_space<semaphore_mem>>
        %dma_start3A = arith.constant 0 : i32
        %dma_start3A_58 = arith.constant 0 : i32
        %dma_start3A_59 = tpu.memref_slice %arg11[%dma_start3A, %dma_start3A_58] : memref<128x128xf32, #tpu.memory_space<vmem>> -> memref<80x128xf32, #tpu.memory_space<vmem>>
        %dma_start3A_60 = arith.constant 0 : i32
        %dma_start3A_61 = tpu.memref_slice %arg6[%arg0, %mul3A_57, %dma_start3A_60] : memref<2x10000x128xf32, #tpu.memory_space<hbm>> -> memref<1x80x128xf32, #tpu.memory_space<hbm>>
        %dma_start3A_62 = tpu.memref_squeeze %dma_start3A_61 : memref<1x80x128xf32, #tpu.memory_space<hbm>> -> memref<80x128xf32, #tpu.memory_space<hbm>>
        %dma_start3A_63 = arith.constant 0 : i32
        %dma_start3A_64 = tpu.memref_slice %arg6[%arg0, %mul3A_57, %dma_start3A_63] : memref<2x10000x128xf32, #tpu.memory_space<hbm>> -> memref<1x80x128xf32, #tpu.memory_space<hbm>>
        %dma_start3A_65 = tpu.memref_squeeze %dma_start3A_64 : memref<1x80x128xf32, #tpu.memory_space<hbm>> -> memref<80x128xf32, #tpu.memory_space<hbm>>
        %dma_start3A_66 = arith.constant 0 : i32
        %dma_start3A_67 = arith.constant 0 : i32
        %dma_start3A_68 = tpu.memref_slice %arg11[%dma_start3A_66, %dma_start3A_67] : memref<128x128xf32, #tpu.memory_space<vmem>> -> memref<80x128xf32, #tpu.memory_space<vmem>>
        tpu.enqueue_dma source(%dma_start3A_68 : memref<80x128xf32, #tpu.memory_space<vmem>>) target(%dma_start3A_65 : memref<80x128xf32, #tpu.memory_space<hbm>>) target_semaphore(%run_scoped3A : memref<!tpu.dma_semaphore, #tpu.memory_space<semaphore_mem>>)
        %dma_wait3A = arith.constant 0 : i32
        %dma_wait3A_69 = arith.constant 0 : i32
        %dma_wait3A_70 = tpu.memref_slice %arg11[%dma_wait3A, %dma_wait3A_69] : memref<128x128xf32, #tpu.memory_space<vmem>> -> memref<80x128xf32, #tpu.memory_space<vmem>>
        %dma_wait3A_71 = arith.constant 0 : i32
        %dma_wait3A_72 = tpu.memref_slice %arg6[%arg0, %mul3A_57, %dma_wait3A_71] : memref<2x10000x128xf32, #tpu.memory_space<hbm>> -> memref<1x80x128xf32, #tpu.memory_space<hbm>>
        %dma_wait3A_73 = tpu.memref_squeeze %dma_wait3A_72 : memref<1x80x128xf32, #tpu.memory_space<hbm>> -> memref<80x128xf32, #tpu.memory_space<hbm>>
        %dma_wait3A_74 = arith.constant 0 : i32
        %dma_wait3A_75 = tpu.memref_slice %arg6[%arg0, %mul3A_57, %dma_wait3A_74] : memref<2x10000x128xf32, #tpu.memory_space<hbm>> -> memref<1x80x128xf32, #tpu.memory_space<hbm>>
        %dma_wait3A_76 = tpu.memref_squeeze %dma_wait3A_75 : memref<1x80x128xf32, #tpu.memory_space<hbm>> -> memref<80x128xf32, #tpu.memory_space<hbm>>
        %dma_wait3A_77 = arith.constant 0 : i32
        %dma_wait3A_78 = arith.constant 0 : i32
        %dma_wait3A_79 = tpu.memref_slice %arg11[%dma_wait3A_77, %dma_wait3A_78] : memref<128x128xf32, #tpu.memory_space<vmem>> -> memref<80x128xf32, #tpu.memory_space<vmem>>
        tpu.wait_dma2 semaphore(%run_scoped3A : memref<!tpu.dma_semaphore, #tpu.memory_space<semaphore_mem>>) src(%dma_wait3A_79 : memref<80x128xf32, #tpu.memory_space<vmem>>) dst(%dma_wait3A_76 : memref<80x128xf32, #tpu.memory_space<hbm>>)
        tpu.yield
      }) : () -> ()
    }
    return
  }
}

module attributes {stable_mosaic.version = 14 : i64} {
  func.func @body(%arg0: i32, %arg1: memref<1000x128xf32, #tpu.memory_space<vmem>>, %arg2: memref<1000x128xf32, #tpu.memory_space<vmem>>, %arg3: memref<1000x128xf32, #tpu.memory_space<vmem>>, %arg4: memref<1000x128xf32, #tpu.memory_space<vmem>>) attributes {dimension_semantics = [#tpu.dimension_semantics<arbitrary>], iteration_bounds = array<i64: 10>, scalar_prefetch = 0 : i64, scratch_operands = 0 : i64, tpu.core_type = #tpu.core_type<tc>, window_params = [{transform_indices = @transform_0, window_bounds = array<i64: 1000, 128>}, {transform_indices = @transform_1, window_bounds = array<i64: 1000, 128>}, {transform_indices = @transform_2, window_bounds = array<i64: 1000, 128>}, {transform_indices = @transform_3, window_bounds = array<i64: 1000, 128>}]} {
    %get3A = arith.constant 0 : index
    %get3A_0 = arith.constant 0 : index
    %get3A_1 = vector.load %arg1[%get3A, %get3A_0] : memref<1000x128xf32, #tpu.memory_space<vmem>>, vector<1000x128xf32>
    %get3A_2 = arith.constant 0 : index
    %get3A_3 = arith.constant 0 : index
    %get3A_4 = vector.load %arg2[%get3A_2, %get3A_3] : memref<1000x128xf32, #tpu.memory_space<vmem>>, vector<1000x128xf32>
    %add3A = arith.addf %get3A_1, %get3A_4 : vector<1000x128xf32>
    %get3A_5 = arith.constant 0 : index
    %get3A_6 = arith.constant 0 : index
    %get3A_7 = vector.load %arg3[%get3A_5, %get3A_6] : memref<1000x128xf32, #tpu.memory_space<vmem>>, vector<1000x128xf32>
    %add3A_8 = arith.addf %add3A, %get3A_7 : vector<1000x128xf32>
    %mul3A = arith.constant 5.000000e-01 : f32
    %mul3A_9 = vector.broadcast %mul3A : f32 to vector<1000x128xf32>
    %mul3A_10 = arith.mulf %add3A_8, %mul3A_9 : vector<1000x128xf32>
    %swap3A = arith.constant 0 : index
    %swap3A_11 = arith.constant 0 : index
    %swap3A_12 = vector.load %arg4[%swap3A, %swap3A_11] : memref<1000x128xf32, #tpu.memory_space<vmem>>, vector<1000x128xf32>
    tpu.vector_store %arg4[%swap3A, %swap3A_11], %mul3A_10 {strides = array<i32>} : memref<1000x128xf32, #tpu.memory_space<vmem>>, vector<1000x128xf32>,
    return
  }
  func.func @transform_0(%arg0: i32) -> (i32, i32) {
    %c0_i32 = arith.constant 0 : i32
    %c0_i32_0 = arith.constant 0 : i32
    return %arg0, %c0_i32 : i32, i32
  }
  func.func @transform_1(%arg0: i32) -> (i32, i32) {
    %c0_i32 = arith.constant 0 : i32
    %c0_i32_0 = arith.constant 0 : i32
    return %arg0, %c0_i32 : i32, i32
  }
  func.func @transform_2(%arg0: i32) -> (i32, i32) {
    %c0_i32 = arith.constant 0 : i32
    %c0_i32_0 = arith.constant 0 : i32
    return %arg0, %c0_i32 : i32, i32
  }
  func.func @transform_3(%arg0: i32) -> (i32, i32) {
    %c0_i32 = arith.constant 0 : i32
    %c0_i32_0 = arith.constant 0 : i32
    return %arg0, %c0_i32 : i32, i32
  }
}

</mosaic_0001>

<sc_bundles>
// kernel: kernel.4.cloned.1.call-start
scs
__scs_entry_jumppad:
0x0: {  	(pc) =	sbr.rel $0x88, $3  }
0x1: {  	(tag) =	ssettag $0x0;
	lr =	simm.s32 $0x1  }
0x2: {  	[smem:$0x3F9E] =	sst lr;
	_ =	strace $0xD0000000  }
0x3: {  	_ = 	snop  }
0x4: {  	_ = 	snop  }
0x5: {  	_ = 	snop  }
0x6: {  	_ = 	snop  }
0x7: {  	_ = 	snop  }
__scs_overlays_trampoline_lowered:
0x8: {  	[smem:$0x3FAD] =	sst s0  }
0x9: {  	[smem:$0x3FAE] =	sst s1  }
0xa: {  	[smem:$0x3FAF] =	sst s2  }
0xb: {  	[smem:$0x3FB0] =	sst s3  }
0xc: {  	[smem:$0x3FB1] =	sst s4  }
0xd: {  	[smem:$0x3FB2] =	sst s5  }
0xe: {  	[smem:$0x3FB3] =	sst s6  }
0xf: {  	[smem:$0x3FB4] =	sst s7  }
0x10: {  	[smem:$0x3FB5] =	sst s8  }
0x11: {  	[smem:$0x3FB6] =	sst s9;
	s0 =	simm.s32 @!p0 $0x0  }
0x12: {  	s1 =	sld [smem:$0x3F9C];
	s0 =	simm.s32 @p0 $0x1  }
0x13: {  	[smem:$0x3FB7] =	sst s0;
	s0 =	simm.s32 @!p1 $0x0  }
0x14: {  	s2 =	sld [smem:$0x3F9B];
	s0 =	simm.s32 @p1 $0x1  }
0x15: {  	[smem:$0x3FB8] =	sst s0;
	s0 =	simm.s32 @!p2 $0x0  }
0x16: {  	s3 =	sld [smem:$0x3FDB];
	s0 =	simm.s32 @p2 $0x1  }
0x17: {  	s4 =	simm.s32 $0x1BF5;
	[smem:$0x3FBA] =	sst s0  }
0x18: {  	s0 =	sld [smem:$0x3F9D];
	_ =	swait.ge [sflag:s4], $0x0  }
0x19: {  	s7 =	sld [smem:$0x3F9E]  }
0x1a: {  	s8 =	sadd.s32 $0xFFFFE003, lr  }
0x1b: {  	s9 =	sadd.s32 $0xFFFFFEF7, lr;
	s5 =	simm.s32 $0xFFFFFFFF;
	p2 =	slt.u32 s8, $0xFFFFF086  }
0x1c: {  	p1 =	slt.u32 s9, $0xF7A;
	s5 =	simm.s32 @!p2 $0x0  }
0x1d: {  	s5 =	simm.s32 @p1 $0x1;
	p0 =	seq.s32 s7, s2  }
0x1e: {  	s7 =	smul.u32 @!p0 $0xF7A, s2;
	p2 =	seq.s32 @!p0 s5, $0x0  }
0x1f: {  	s9 =	smul.u32 $0xF7A, s1;
	s8 =	simm.s32 @!p0 $0x1BF5;
	p2 =	por !p2, p0  }
0x20: {  	[sflag:s8] =	ssyncset.s32 @!p0 $0xFFFFF086;
	s6 =	sadd.s32 @!p0 s3, s7;
	s7 =	simm.s32 @!p0 $0x108  }
0x21: {  	s3 =	sadd.s32 s3, s9;
	s6 =	sadd.s32 @!p0 $0x88, s6;
	s7 =	simm.s32 @p2 $0x1082  }
0x22: {  	[simem:s7], [sflag:s8] =	dma.local @!p0 [hbm:s6], $0xF7A  }
0x23: {  	s9 =	sor.u32 $0xD0000000, s2;
	s6 =	simm.s32 $0x108;
	_ =	swait.ge @!p0 [sflag:s8], $0x0  }
0x24: {  	s3 =	sadd.s32 $0x88, s3;
	s6 =	simm.s32 @!p1 $0x1082;
	[sflag:s4] =	ssyncset.s32 $0xFFFFF086  }
0x25: {  	[simem:s6], [sflag:s4] =	dma.local [hbm:s3], $0xF7A  }
0x26: {  	[smem:$0x3F9E] =	sst s1;
	(tag) =	ssettag s2;
	_ =	strace s9  }
0x27: {  	s1 =	sld [smem:$0x3FAE]  }
0x28: {  	s2 =	sld [smem:$0x3FAF]  }
0x29: {  	s4 =	sld [smem:$0x3FB1]  }
0x2a: {  	p0 =	seq.s32 s5, $0x0;
	s5 =	sld [smem:$0x3FB2]  }
0x2b: {  	s6 =	sld [smem:$0x3FB3]  }
0x2c: {  	s7 =	sld [smem:$0x3FB4]  }
0x2d: {  	s3 =	simm.s32 $0x108;
	s8 =	sld [smem:$0x3FB5]  }
0x2e: {  	s3 =	simm.s32 @!p0 $0x1082;
	s9 =	sld [smem:$0x3FB6]  }
0x2f: {  	lr =	sadd.s32 s0, s3;
	s0 =	sld [smem:$0x3FAD]  }
0x30: {  	s3 =	sld [smem:$0x3FB0]  }
0x31: {  	[smem:$0x3FB9] =	sst s10  }
0x32: {  	s10 =	sld [smem:$0x3FB7];
	_ =	sdelay $0x3  }
0x33: {  	p0 =	seq.s32 s10, $0x1;
	s10 =	sld [smem:$0x3FB9];
	_ =	sdelay $0x3  }
0x34: {  	[smem:$0x3FB9] =	sst s10  }
0x35: {  	s10 =	sld [smem:$0x3FB8];
	_ =	sdelay $0x3  }
0x36: {  	p1 =	seq.s32 s10, $0x1;
	s10 =	sld [smem:$0x3FB9];
	_ =	sdelay $0x3  }
0x37: {  	[smem:$0x3FB9] =	sst s10  }
0x38: {  	s10 =	sld [smem:$0x3FBA]  }
0x39: {  	_ = 	snop;
	(pc) =	sbr.ind lr, $3  }
0x3a: {  	_ = 	snop  }
0x3b: {  	_ = 	snop  }
0x3c: {  	p2 =	seq.s32 s10, $0x1;
	s10 =	sld [smem:$0x3FB9]  }
0x3d: {  	_ =	shalt  }
0x3e: {  	_ =	shalt  }
0x3f: {  	_ =	shalt  }
0x40: {  	_ =	shalt  }
0x41: {  	_ =	shalt  }
0x42: {  	_ =	shalt  }
0x43: {  	_ =	shalt  }
0x44: {  	_ =	shalt  }
0x45: {  	_ =	shalt  }
0x46: {  	_ =	shalt  }
0x47: {  	_ =	shalt  }
0x48: {  	_ =	shalt  }
0x49: {  	_ =	shalt  }
0x4a: {  	_ =	shalt  }
0x4b: {  	_ =	shalt  }
0x4c: {  	_ =	shalt  }
0x4d: {  	_ =	shalt  }
0x4e: {  	_ =	shalt  }
0x4f: {  	_ =	shalt  }
0x50: {  	_ =	shalt  }
0x51: {  	_ =	shalt  }
0x52: {  	_ =	shalt  }
0x53: {  	_ =	shalt  }
0x54: {  	_ =	shalt  }
0x55: {  	_ =	shalt  }
0x56: {  	_ =	shalt  }
0x57: {  	_ =	shalt  }
0x58: {  	_ =	shalt  }
0x59: {  	_ =	shalt  }
0x5a: {  	_ =	shalt  }
0x5b: {  	_ =	shalt  }
0x5c: {  	_ =	shalt  }
0x5d: {  	_ =	shalt  }
0x5e: {  	_ =	shalt  }
0x5f: {  	_ =	shalt  }
0x60: {  	_ =	shalt  }
0x61: {  	_ =	shalt  }
0x62: {  	_ =	shalt  }
0x63: {  	_ =	shalt  }
0x64: {  	_ =	shalt  }
0x65: {  	_ =	shalt  }
0x66: {  	_ =	shalt  }
0x67: {  	_ =	shalt  }
0x68: {  	_ =	shalt  }
0x69: {  	_ =	shalt  }
0x6a: {  	_ =	shalt  }
0x6b: {  	_ =	shalt  }
0x6c: {  	_ =	shalt  }
0x6d: {  	_ =	shalt  }
0x6e: {  	_ =	shalt  }
0x6f: {  	_ =	shalt  }
0x70: {  	_ =	shalt  }
0x71: {  	_ =	shalt  }
0x72: {  	_ =	shalt  }
0x73: {  	_ =	shalt  }
0x74: {  	_ =	shalt  }
0x75: {  	_ =	shalt  }
0x76: {  	_ =	shalt  }
0x77: {  	_ =	shalt  }
0x78: {  	_ =	shalt  }
0x79: {  	_ =	shalt  }
0x7a: {  	_ =	shalt  }
0x7b: {  	_ =	shalt  }
0x7c: {  	_ =	shalt  }
0x7d: {  	_ =	shalt  }
0x7e: {  	_ =	shalt  }
0x7f: {  	_ =	shalt  }
0x80: {  	_ =	shalt  }
0x81: {  	_ =	shalt  }
0x82: {  	_ =	shalt  }
0x83: {  	_ =	shalt  }
0x84: {  	_ =	shalt  }
0x85: {  	_ =	shalt  }
0x86: {  	_ =	shalt  }
0x87: {  	_ =	shalt  }
.Lfunc_end0:
.L_simem_size_0:
called_computation_lowered:
.L_overlay_start_0:
0x88: {  	s2 =	sld [smem:$0x3FD9]  }
0x89: {  	s3 =	sld [smem:$0x3FFE];
	_ =	sdelay $0x1  }
0x8a: {  	s1 =	srdreg.scid  }
0x8b: {  	s0 =	sand.u32 $0x1, s1  }
0x8c: {  	s17 =	sshll.u32 s0, $0xA;
	s2 =	sadd.s32 s3, s2  }
0x8d: {  	s2 =	sadd.s32 s2, s17  }
0x8e: {  	[smem:$0x3FC5] =	sst s2  }
0x8f: {  	_ = 	snop  }
0x90: {  	s2 =	sld [smem:$0x3FC9]  }
0x91: {  	s18 =	sld [smem:$0x3FD0];
	(tm) =	ssettm $0x1  }
0x92: {  	s4 =	sld [smem:$0x3FFB];
	_ =	sdelay $0x3  }
0x93: {  	_ =	strace s4  }
0x94: {  	s4 =	sld [smem:$0x3FFC];
	_ =	sdelay $0x3  }
0x95: {  	_ =	strace s4  }
0x96: {  	s4 =	sld [smem:$0x3FFD];
	_ =	sdelay $0x3  }
0x97: {  	_ =	strace s4  }
0x98: {  	_ =	strace $0x8FFFFFFF  }
0x99: {  	s19 =	sld [smem:$0x3FDB];
	_ =	sdelay $0x1  }
0x9a: {  	s5 =	simm.s32 $_scs_section_size  }
0x9b: {  	s6 =	simm.s32 $_size__tile_overlayer_lowered;
	s7 =	simm.s32 $_tile_overlayer_lowered  }
0x9c: {  	s22 =	simm.s32 $0x1BFF;
	s21 =	sshll.u32 s7, $0x1;
	s4 =	sadd.s32 s5, s19  }
0x9d: {  	s8 =	simm.s32 $0x0;
	s20 =	sshll.u32 s6, $0x1;
	s6 =	sadd.s32 s21, s4  }
0x9e: {  	[timem:s8], [sflag:s22] =	dma.local [hbm:s6], s20  }
0x9f: {  	_ =	swait.ge [sflag:s22], s20  }
0xa0: {  	s5 =	ssub.s32 $0x0, s20;
	[sflag:s22] =	ssyncset.done $0x0  }
0xa1: {  	[sflag:s22] =	ssyncadd.s32 s5;
	_ =	sdelay $0x1  }
0xa2: {  	s23 =	simm.s32 $0x1B8B  }
0xa3: {  	_ =	swait.ge [sflag:s23], $0x1  }
0xa4: {  	[sflag:s23] =	ssyncset.done $0x0  }
0xa5: {  	s25 =	simm.s32 $0x1B8E;
	s24 =	sld [smem:$0x3FFE];
	[sflag:s23] =	ssyncadd.s32 $0xFFFFFFFF  }
0xa6: {  	s26 =	simm.s32 $execute0_lowered;
	[smem:$0x3FD2] =	sst s25  }
0xa7: {  	s6 =	sshll.u32 s26, $0x1;
	_ =	strace $0x80000046;
	[dreg:$0x1] =	wrdreg $0xFFFFFFFF  }
0xa8: {  	s28 =	simm.s32 $_size_execute0_lowered;
	s4 =	sadd.s32 s4, s6;
	[dreg:$0x0] =	wrdreg $0x0  }
0xa9: {  	s6 =	sshll.u32 s28, $0x1;
	[dreg:$0x2] =	wrdreg s4  }
0xaa: {  	[dreg:$0x3] =	wrdreg s6  }
0xab: {  	[dreg:$0x4] =	wrdreg $0xC0  }
0xac: {  	_ =	task [dreg:s8], $0x5FFFF  }
0xad: {  	[dreg:$0x1] =	wrdreg $0xFFFFFFFF  }
0xae: {  	[dreg:$0x0] =	wrdreg $0x60  }
0xaf: {  	[dreg:$0x2] =	wrdreg s2  }
0xb0: {  	[dreg:$0x3] =	wrdreg s18  }
0xb1: {  	[dreg:$0x4] =	wrdreg s24  }
0xb2: {  	[dreg:$0x5] =	wrdreg $0x0  }
0xb3: {  	[dreg:$0x6] =	wrdreg $0x9  }
0xb4: {  	_ =	task.clear_ibuf [dreg:s8], $0x7FFFF;
	_ =	strace $0x90000046  }
0xb5: {  	s29 =	simm.s32 $0x9;
	_ =	strace $0x80000048  }
0xb6: {  	_ =	swait.ge [sflag:s29], $0x1  }
0xb7: {  	[sflag:s29] =	ssyncadd.s32 $0xFFFFFFFF  }
0xb8: {  	_ =	strace $0x90000048  }
0xb9: {  	_ =	sfence  }
0xba: {  	s30 =	sld [smem:$0x0];
	_ =	sdelay $0x2  }
0xbb: {  	s31 =	sshll.u32 s1, $0xD;
	s1 =	sshrl.u32 s1, $0x2  }
0xbc: {  	s3 =	sand.u32 $0x4000, s31;
	s1 =	sadd.s32 s1, s30  }
0xbd: {  	s0 =	sor.u32 s3, s0;
	s1 =	sshll.u32 s1, $0x11  }
0xbe: {  	s0 =	sor.u32 s1, s0  }
0xbf: {  	s0 =	sadd.s32 $0x8F2B, s0  }
0xc0: {  	[sflag:s0] =	ssyncadd.remote.s32 $0x1  }
0xc1: {  	_ =	sfence.sel $0xFFFF  }
0xc2: {  	[dreg:$0x0] =	wrdreg $0xFFFFFFFF;
	(pc) =	sbr.abs _section_cstart, $3  }
0xc3: {  	[dreg:$0x1] =	wrdreg $0xFFFFFFFF  }
0xc4: {  	_ =	task.clear_ibuf [dreg:s8], $0x2FFFF;
	_ =	strace $0x9FFFFFFF  }
0xc5: {  	(tm) =	ssettm $0x7FFFFFFF  }
tec
execute0_lowered:
.L_overlay_start_1:
0x0: {  	(tag) =	ssettag $0x1  }
0x1: {  	s0 =	rddreg [dreg:$0x0]  }
0x2: {  	s6 =	rddreg [dreg:$0x1]  }
0x3: {  	s5 =	rddreg [dreg:$0x2]  }
0x4: {  	s1 =	srdreg.scid;
	s3 =	rddreg [dreg:$0x3]  }
0x5: {  	s2 =	stileid.u32;
	s4 =	simm.s32 $0x0;
	s15 =	simm.s32 $0x16080  }
0x6: {  	s16 =	simm.s32 $0x18880;
	s17 =	simm.s32 $0x80;
	s18 =	simm.s32 $0x1  }
0x7: {  	s19 =	simm.s32 $0x0;
	s7 =	sand.u32 $0x1, s1;
	s10 =	smul.u32 $0x2800, s2  }
0x8: {  	s1 =	rddreg [dreg:$0x4];
	s8 =	sshll.u32 s2, $0x1;
	s13 =	smul.u32 $0xA000, s2  }
0x9: {  	[smem:$0x7FF] =	sst s4;
	s12 =	ssub.s32 $0x8C, s2;
	s9 =	smul.u32 $0x138800, s7  }
0xa: {  	s8 =	sor.u32 s7, s8;
	_ =	strace $0x80000047;
	s7 =	ssub.s32 $0x2, s7  }
0xb: {  	s8 =	smul.u32 $0x500, s8;
	s11 =	sshrl.u32 s7, $0x1;
	s31 =	sshrl.u32 s13, $0x2  }
0xc: {  	s13 =	simm.s32 $0x2;
	s9 =	sadd.s32 s10, s9;
	s30 =	ssub.s32 s7, s11  }
0xd: {  	s10 =	sadd.s32 s31, s3;
	s29 =	sadd.s32 s8, s5;
	s9 =	sshrl.u32 s9, $0x3  }
0xe: {  	s6 =	sadd.s32 s6, s8;
	s14 =	sadd.s32 s9, s5;
	s5 =	sshrl.u32 s12, $0x4  }
0xf: {  	s7 =	sadd.s32 $0x800, s29;
	s8 =	sadd.s32 $0xA800, s29;
	s9 =	smax.u32 s30, $0x1  }
0x10: {  	v0 =	vimm.f32 $0.0e+00;
	s12 =	simm.s32 $0x1B080;
	s11 =	sadd.s32 $0x14800, s14;
	s14 =	simm.s32 $0x13880  }
.LBB2_1:
0x11: {  	s20 =	simm.s32 $0x0;
	s21 =	simm.s32 $0x200  }
.LBB2_2:
0x12: {  	p0 =	sne.s32 s21, $0xFE00;
	[tilespmem:s20+$0x1B0F0] =	vst v0  }
0x13: {  	[tilespmem:s20+$0x1B080] =	vst v0  }
0x14: {  	[tilespmem:s20+$0x1B090] =	vst v0  }
.Ltmp0:
0x15: {  	[tilespmem:s20+$0x1B0A0] =	vst v0;
	(pc) =	sbr.rel @p0 .LBB2_2-.Ltmp0, $4  }
0x16: {  	[tilespmem:s20+$0x1B0B0] =	vst v0  }
0x17: {  	[tilespmem:s20+$0x1B0C0] =	vst v0  }
0x18: {  	[tilespmem:s20+$0x1B0D0] =	vst v0  }
0x19: {  	[tilespmem:s20+$0x1B0E0] =	vst v0;
	s20 =	sshra.s32 s21, $0x2;
	s21 =	sadd.s32 $0x200, s21  }
0x1a: {  	[tilespmem:s20+$0x1B0F0] =	vst v0  }
0x1b: {  	[tilespmem:s20+$0x1B080] =	vst v0  }
0x1c: {  	[tilespmem:s20+$0x1B090] =	vst v0  }
0x1d: {  	[tilespmem:s20+$0x1B0A0] =	vst v0  }
0x1e: {  	[tilespmem:s20+$0x1B0B0] =	vst v0  }
0x1f: {  	[tilespmem:s20+$0x1B0C0] =	vst v0;
	p0 =	sne.s32 s5, $0x1  }
.Ltmp1:
0x20: {  	[tilespmem:s20+$0x1B0D0] =	vst v0;
	(pc) =	sbr.rel @!p0 .LBB2_5-.Ltmp1, $4  }
0x21: {  	[tilespmem:s20+$0x1B0E0] =	vst v0  }
0x22: {  	[spmem:s10] =	stream.linear.scatter [tilespmem:s12], [sflag:$0x2], $0x2800, $0x38;
	[tilespmem:$0x1F080] =	vst v63  }
0x23: {  	_ =	swait.ge [sflag:s13], $0x2800  }
0x24: {  	s20 =	sadd.s32 $0xFFFFFFFF, s5;
	s21 =	smov.u32 s10;
	[sflag:s13] =	ssyncset.done $0x0  }
.LBB2_4:
0x25: {  	p1 =	sne.s32 s20, $0x1;
	[sflag:s13] =	ssyncadd.s32 $0xFFFFD800;
	s21 =	sadd.s32 $0x28000, s21  }
.Ltmp2:
0x26: {  	s20 =	sadd.s32 $0xFFFFFFFF, s20;
	(pc) =	sbr.rel @p1 .LBB2_4-.Ltmp2, $4  }
0x27: {  	_ = 	snop  }
0x28: {  	[spmem:s21] =	stream.linear.scatter [tilespmem:s12], [sflag:$0x2], $0x2800, $0x38;
	[tilespmem:$0x1F080] =	vst v63  }
0x29: {  	_ =	swait.ge [sflag:s13], $0x2800  }
0x2a: {  	[sflag:s13] =	ssyncset.done $0x0  }
.LBB2_5:
0x2b: {  	[sflag:s13] =	ssyncadd.s32 $0xFFFFD800;
	s20 =	simm.s32 $0x0  }
0x2c: {  	[tilespmem:s14], [sflag:$0x2] =	stream.linear.gather [hbm4b:s6+s20], $0x2800, $0x38;
	[tilespmem:$0x1F080] =	vst v63  }
0x2d: {  	_ =	swait.ge [sflag:s13], $0x2800  }
0x2e: {  	[sflag:s13] =	ssyncset.done $0x0  }
0x2f: {  	[sflag:s13] =	ssyncadd.s32 $0xFFFFD800  }
0x30: {  	[tilespmem:s15], [sflag:$0x2] =	stream.linear.gather [hbm4b:s7+s20], $0x2800, $0x38;
	[tilespmem:$0x1F080] =	vst v63  }
0x31: {  	_ =	swait.ge [sflag:s13], $0x2800  }
0x32: {  	[sflag:s13] =	ssyncset.done $0x0  }
0x33: {  	[sflag:s13] =	ssyncadd.s32 $0xFFFFD800  }
0x34: {  	[tilespmem:s16], [sflag:$0x2] =	stream.linear.gather [hbm4b:s8+s20], $0x2800, $0x38;
	[tilespmem:$0x1F080] =	vst v63  }
0x35: {  	_ =	swait.ge [sflag:s13], $0x2800  }
0x36: {  	[sflag:s13] =	ssyncset.done $0x0  }
0x37: {  	[sflag:s13] =	ssyncadd.s32 $0xFFFFD800  }
0x38: {  	s21 =	simm.s32 $0x0;
	[bflag:$0x0] =	sbarrier.arrive $0xFFFF  }
.LBB2_6:
0x39: {  	s22 =	sshll.u32 s21, $0x7  }
0x3a: {  	s23 =	sand.u32 $0x3FFFFF80, s22  }
0x3b: {  	s23 =	sadd.s32 $0x13880, s23  }
0x3c: {  	[tilespmem:s12], [sflag:$0x1] =	stream.indirect.gather [hbm4b:s0+s17], $0x80, s23, s17, $0xb8;
	[tilespmem:$0x1F080] =	vst v63  }
0x3d: {  	s31 =	sadd.s32 $0x0, s20;
	_ =	swait.ge [sflag:s18], $0x4000  }
0x3e: {  	v1 =	vmov s31;
	[sflag:s18] =	ssyncset.done $0x0  }
0x3f: {  	s23 =	simm.s32 $0x1B0C0;
	[sflag:s18] =	ssyncadd.s32 $0xFFFFC000  }
0x40: {  	v5 =	vld [tilespmem:s23+$0x30]  }
0x41: {  	v8 =	vld [tilespmem:s23+$0x10]  }
0x42: {  	v6 =	vld [tilespmem:s23+$0xFFFFFFC0]  }
0x43: {  	v2 =	vld.idx.msk [tilespmem:v1+s16+$0x0], $0xffff  }
0x44: {  	v10 =	vld [tilespmem:s23+$0xFFFFFFE0]  }
0x45: {  	v1 =	vld [tilespmem:s23+$0xFFFFFFF0]  }
0x46: {  	v3 =	vld [tilespmem:s23+$0x20]  }
0x47: {  	v4 =	vld [tilespmem:s23+$0xFFFFFFD0]  }
0x48: {  	v9 =	vmul.f32 v5, v2;
	v5 =	vld [tilespmem:s23+$0x0]  }
0x49: {  	v7 =	vmul.f32 v6, v2  }
0x4a: {  	s24 =	simm.s32 $0x1;
	s25 =	simm.s32 $0x1B0C0;
	v6 =	vmul.f32 v10, v2;
	v8 =	vmul.f32 v8, v2  }
.LBB2_7:
0x4b: {  	p1 =	sne.s32 s24, $0x7F  }
0x4c: {  	v4 =	vmul.f32 v4, v2;
	v3 =	vmul.f32 v3, v2;
	[tilespmem:s23+$0x30] =	vst v9;
	s25 =	sadd.s32 $0x80, s25;
	s26 =	smov.u32 s24;
	s24 =	sadd.s32 $0x1, s24  }
0x4d: {  	[tilespmem:s23+$0xFFFFFFC0] =	vst v7;
	v7 =	vmul.f32 v1, v2;
	v2 =	vmul.f32 v5, v2  }
0x4e: {  	s26 =	sadd.s32 s26, s20;
	[tilespmem:s23+$0x10] =	vst v8  }
0x4f: {  	v5 =	vmov s26;
	[tilespmem:s23+$0xFFFFFFE0] =	vst v6  }
0x50: {  	v1 =	vld [tilespmem:s25+$0xFFFFFFF0];
	[tilespmem:s23+$0xFFFFFFF0] =	vst v7  }
0x51: {  	v6 =	vld [tilespmem:s25+$0x30];
	[tilespmem:s23+$0x0] =	vst v2  }
0x52: {  	v8 =	vld [tilespmem:s25+$0x10];
	[tilespmem:s23+$0x20] =	vst v3  }
0x53: {  	v7 =	vld [tilespmem:s25+$0xFFFFFFC0];
	[tilespmem:s23+$0xFFFFFFD0] =	vst v4;
	s23 =	smov.u32 s25  }
0x54: {  	v2 =	vld.idx.msk [tilespmem:v5+s16+$0x0], $0xffff  }
0x55: {  	v10 =	vld [tilespmem:s25+$0xFFFFFFE0]  }
0x56: {  	v3 =	vld [tilespmem:s25+$0x20]  }
.Ltmp3:
0x57: {  	v4 =	vld [tilespmem:s25+$0xFFFFFFD0];
	(pc) =	sbr.rel @p1 .LBB2_7-.Ltmp3, $3  }
0x58: {  	v5 =	vld [tilespmem:s25+$0x0];
	_ =	sdelay $0x1  }
0x59: {  	v7 =	vmul.f32 v7, v2;
	v9 =	vmul.f32 v6, v2  }
0x5a: {  	v8 =	vmul.f32 v8, v2;
	v6 =	vmul.f32 v10, v2  }
0x5b: {  	[tilespmem:s23+$0x30] =	vst v9  }
0x5c: {  	[tilespmem:s23+$0xFFFFFFC0] =	vst v7  }
0x5d: {  	v1 =	vmul.f32 v1, v2;
	[tilespmem:s23+$0x10] =	vst v8  }
0x5e: {  	v3 =	vmul.f32 v3, v2;
	[tilespmem:s23+$0xFFFFFFE0] =	vst v6  }
0x5f: {  	v5 =	vmul.f32 v5, v2;
	[tilespmem:s23+$0xFFFFFFF0] =	vst v1  }
0x60: {  	s21 =	sadd.s32 $0x1, s21;
	v1 =	vmul.f32 v4, v2;
	[tilespmem:s23+$0x20] =	vst v3  }
0x61: {  	p1 =	sne.s32 s21, $0x50;
	[tilespmem:s23+$0x0] =	vst v5  }
.Ltmp4:
0x62: {  	s22 =	sadd.s32 $0x16080, s22;
	[tilespmem:s23+$0xFFFFFFD0] =	vst v1;
	(pc) =	sbr.rel @p1 .LBB2_6-.Ltmp4, $4  }
0x63: {  	[spmem:s3] =	stream.indirect.scatter.add.f32 [tilespmem:s12], [sflag:$0x1], $0x80, s22, s17, $0xb8;
	[tilespmem:$0x1F080] =	vst v63  }
0x64: {  	_ =	swait.ge [sflag:s18], $0x4000  }
0x65: {  	[sflag:s18] =	ssyncset.done $0x0  }
0x66: {  	s20 =	sadd.s32 $0x80, s20;
	[sflag:s18] =	ssyncadd.s32 $0xFFFFC000  }
0x67: {  	[bflag:$0x0] =	sbarrier.arrive $0xFFFF  }
0x68: {  	[tilespmem:s12], [sflag:$0x2] =	stream.linear.gather [spmem:s10], $0x2800, $0x38;
	[tilespmem:$0x1F080] =	vst v63  }
0x69: {  	_ =	swait.ge [sflag:s13], $0x2800  }
.Ltmp5:
0x6a: {  	[sflag:s13] =	ssyncset.done $0x0;
	(pc) =	sbr.rel @!p0 .LBB2_11-.Ltmp5, $4  }
0x6b: {  	[sflag:s13] =	ssyncadd.s32 $0xFFFFD800  }
0x6c: {  	[hbm4b:s11+s4] =	stream.linear.scatter [tilespmem:s12], [sflag:$0x2], $0x2800, $0x38;
	[tilespmem:$0x1F080] =	vst v63  }
0x6d: {  	s20 =	sadd.s32 $0xFFFFFFFF, s5;
	_ =	swait.ge [sflag:s13], $0x2800  }
0x6e: {  	s21 =	smov.u32 s10;
	s22 =	smov.u32 s11;
	[sflag:s13] =	ssyncset.done $0x0  }
.LBB2_10:
0x6f: {  	[sflag:s13] =	ssyncadd.s32 $0xFFFFD800;
	s21 =	sadd.s32 $0x28000, s21;
	s22 =	sadd.s32 $0x5000, s22  }
0x70: {  	[tilespmem:s12], [sflag:$0x2] =	stream.linear.gather [spmem:s21], $0x2800, $0x38;
	[tilespmem:$0x1F080] =	vst v63  }
0x71: {  	p0 =	sne.s32 s20, $0x1;
	s20 =	sadd.s32 $0xFFFFFFFF, s20;
	_ =	swait.ge [sflag:s13], $0x2800  }
.Ltmp6:
0x72: {  	[sflag:s13] =	ssyncset.done $0x0;
	(pc) =	sbr.rel @p0 .LBB2_10-.Ltmp6, $4  }
0x73: {  	[sflag:s13] =	ssyncadd.s32 $0xFFFFD800  }
0x74: {  	[hbm4b:s22+s4] =	stream.linear.scatter [tilespmem:s12], [sflag:$0x2], $0x2800, $0x38;
	[tilespmem:$0x1F080] =	vst v63  }
0x75: {  	_ =	swait.ge [sflag:s13], $0x2800  }
0x76: {  	[sflag:s13] =	ssyncset.done $0x0  }
.LBB2_11:
0x77: {  	s19 =	sadd.s32 $0x1, s19  }
0x78: {  	p0 =	sne.s32 s19, s9  }
.Ltmp7:
0x79: {  	_ = 	snop;
	(pc) =	sbr.rel @p0 .LBB2_1-.Ltmp7, $2  }
0x7a: {  	_ =	sdelay $0x2  }
0x7b: {  	[sflag:s13] =	ssyncadd.s32 $0xFFFFD800  }
0x7c: {  	_ =	sfence.sel $0x180000  }
0x7d: {  	[bflag:$0x0] =	sbarrier.arrive $0xFFFF  }
0x7e: {  	p0 =	sne.s32 s2, $0x0;
	_ =	strace $0x90000047  }
0x7f: {  	s0 =	sadd.s32 @!p0 $0x100000, s1;
	[bflag:$0x2] =	sbarrier.arrive $0xFFFF  }
0x80: {  	[sflag:s0] =	ssyncadd.tile.s32 @!p0 $0x1;
	_ =	shalt  }
.Lfunc_end2:
_tile_overlayer_lowered:
.L_overlay_start_2:
0x81: {  	(tag) =	ssettag $0x2  }
0x82: {  	s0 =	rddreg [dreg:$0x0];
	s2 =	stileid.u32  }
0x83: {  	s1 =	rddreg [dreg:$0x1];
	p0 =	sne.s32 s2, $0x0  }
0x84: {  	s3 =	rddreg [dreg:$0x2];
	[bflag:$0x3] =	sbarrier.arrive $0xFFFF;
	s2 =	simm.s32 @!p0 $0x1C02  }
0x85: {  	[timem:s3], [sflag:s2] =	dma.local @!p0 [hbm:s0], s1  }
0x86: {  	s0 =	simm.s32 @!p0 $0x2  }
0x87: {  	_ =	swait.ge @!p0 [sflag:s0], s1  }
0x88: {  	s1 =	ssub.s32 @!p0 $0x0, s1;
	[sflag:s0] =	ssyncset.done @!p0 $0x0  }
0x89: {  	[sflag:s0] =	ssyncadd.s32 @!p0 s1  }
0x8a: {  	[bflag:$0x3] =	sbarrier.arrive $0xFFFF  }
0x8b: {  	_ =	shalt  }

</sc_bundles>
